<compile_context>
chip_gen: v7x
topology: tpu7x:2x2x1
jax: 0.10.2.dev20260603
libtpu: 0.0.44.dev20260713+nightly
codegen_flags: <defaults>
</compile_context>

<pallas_src>
import functools

import jax
import jax.numpy as jnp
from jax import lax
from jax.experimental import pallas as pl
from jax.experimental.pallas import tpu as pltpu
from jax.experimental.pallas import tpu_sc as plsc

_C = 26
_V = 100000
_D = 32
_B = 16384
_NW = 32

_mesh = plsc.VectorSubcoreMesh(core_axis_name="c", subcore_axis_name="s")


@functools.partial(
    pl.kernel,
    mesh=_mesh,
    out_type=jax.ShapeDtypeStruct((_C, _D, _B), jnp.float32),
    scratch_types=[
        pltpu.VMEM((_B,), jnp.int32),
        pltpu.VMEM((_B,), jnp.int32),
        pltpu.VMEM((_B,), jnp.float32),
        pltpu.VMEM((_B,), jnp.float32),
        pltpu.SemaphoreType.DMA,
        pltpu.SemaphoreType.DMA,
    ],
    compiler_params=pltpu.CompilerParams(
        use_tc_tiling_on_sc=False, needs_layout_passes=False),
)
def _gather_all(idx_hbm, tab_hbm, out_hbm, idx_v0, idx_v1, col_v0, col_v1,
                sem0, sem1):
    wid = lax.axis_index("s") * 2 + lax.axis_index("c")
    idx_v = (idx_v0, idx_v1)
    col_v = (col_v0, col_v1)
    sem = (sem0, sem1)

    def pair(t, carry):
        for par in (0, 1):
            c = t * 2 + par

            @pl.when(c >= 2)
            def _():
                pltpu.make_async_copy(
                    out_hbm.at[0, 0], col_v[par], sem[par]).wait()
                pltpu.sync_copy(col_v[par], out_hbm.at[c - 2, wid])

            pltpu.sync_copy(idx_hbm.at[c], idx_v[par])
            pltpu.async_copy(
                tab_hbm.at[c, wid].at[idx_v[par]], col_v[par], sem[par])
        return carry

    lax.fori_loop(0, _C // 2, pair, 0)
    for par in (0, 1):
        pltpu.make_async_copy(out_hbm.at[0, 0], col_v[par], sem[par]).wait()
        pltpu.sync_copy(col_v[par], out_hbm.at[_C - 2 + par, wid])


def kernel(input, tables):
    idx_t = input.astype(jnp.int32).T
    tt = jnp.transpose(tables, (0, 2, 1))
    out = _gather_all(idx_t, tt)
    return jnp.transpose(out, (2, 0, 1))

# --- scband reference (transcript-rebuilt; emitter-appended) ---
"""Pipeline reference for scband-multi-embeddings-36120674959396 (READ-ONLY COPY).

The authoritative reference and input builder live on the scoring server;
editing this copy changes nothing except your own understanding.
"""

import jax, jax.numpy as jnp
import numpy as np

NUM_CATEGORIES = 26
VOCAB = 100000
EMBED_DIM = 32
BATCH = 16384


def setup_inputs(seed: int = 0) -> dict:
    key = jax.random.key(seed)
    k_idx, k_tab = jax.random.split(key)
    # indices: int64[B, num_category] with values in [0, vocab)
    indices = jax.random.randint(k_idx, (BATCH, NUM_CATEGORIES), 0, VOCAB, dtype=jnp.int32)
    # One embedding table per category; all vocabs equal so stack into [C, V, D]
    tables = jax.random.normal(k_tab, (NUM_CATEGORIES, VOCAB, EMBED_DIM), dtype=jnp.float32) * 0.02
    return {"input": indices, "tables": tables}


def reference(input, tables):
    # Faithful translation of MultiEmbeddings.forward with do_flatten=False:
    #   for each category c: embeds[c](input[..., c])  -> gather from table c
    #   stack along dim=-2 -> (B, num_category, embedding_dim)
    batch_list = []
    for c in range(NUM_CATEGORIES):
        batch_list.append(jnp.take(tables[c], input[:, c], axis=0))
    output = jnp.stack(batch_list, axis=-2)
    return output

if __name__ == "__main__":
    import jax
    _d = setup_inputs()
    print(jax.jit(kernel)(*tuple(_d.values())))

</pallas_src>

<mosaic_0001>
#map = affine_map<(d0, d1) -> (0, 0)>
#map1 = affine_map<(d0, d1) -> (0, 0, 0)>
module attributes {stable_mosaic.version = 14 : i64} {
  func.func @_gather_all(%arg0: i32, %arg1: i32, %arg2: memref<26x16384xi32, #tpu.memory_space<hbm>>, %arg3: memref<26x32x100000xf32, #tpu.memory_space<hbm>>, %arg4: memref<26x32x16384xf32, #tpu.memory_space<hbm>>, %arg5: memref<16384xi32, #tpu.memory_space<vmem>>, %arg6: memref<16384xi32, #tpu.memory_space<vmem>>, %arg7: memref<16384xf32, #tpu.memory_space<vmem>>, %arg8: memref<16384xf32, #tpu.memory_space<vmem>>, %arg9: memref<!tpu.dma_semaphore, #tpu.memory_space<semaphore_mem>>, %arg10: memref<!tpu.dma_semaphore, #tpu.memory_space<semaphore_mem>>) attributes {dimension_semantics = [#tpu.dimension_semantics<core_parallel>, #tpu.dimension_semantics<subcore_parallel>], iteration_bounds = array<i64: 2, 16>, scalar_prefetch = 0 : i64, scratch_operands = 6 : i64, tpu.core_type = #tpu.core_type<sc_vector_subcore>, window_params = [{transform_indices = #map}, {transform_indices = #map1}, {transform_indices = #map1}]} {
    %mul3A = arith.constant 2 : i32
    %mul3A_0 = arith.muli %arg1, %mul3A : i32
    %add3A = arith.addi %mul3A_0, %arg0 : i32
    %scan3A = arith.constant 0 : i32
    %scan3A_1 = arith.constant 0 : i32
    %scan3A_2 = arith.constant 13 : i32
    %scan3A_3 = arith.addi %scan3A_1, %scan3A_2 : i32
    %scan3A_4 = arith.constant 1 : i32
    scf.for %scan3A_22 = %scan3A_1 to %scan3A_3 step %scan3A_4  : i32 {
      %mul3A_23 = arith.constant 2 : i32
      %mul3A_24 = arith.muli %scan3A_22, %mul3A_23 : i32
      %add3A_25 = arith.constant 0 : i32
      %add3A_26 = arith.addi %mul3A_24, %add3A_25 : i32
      %ge3A = arith.constant 2 : i32
      %ge3A_27 = arith.cmpi sge, %add3A_26, %ge3A : i32
      %convert_element_type3A = arith.extui %ge3A_27 : i1 to i32
      %cond3A = arith.constant 0 : i32
      %cond3A_28 = arith.cmpi ne, %convert_element_type3A, %cond3A : i32
      scf.if %cond3A_28 {
        %dma_wait3A_47 = arith.constant 0 : i32
        %dma_wait3A_48 = arith.constant 0 : i32
        %dma_wait3A_49 = arith.constant 0 : i32
        %dma_wait3A_50 = tpu.memref_slice %arg4[%dma_wait3A_47, %dma_wait3A_48, %dma_wait3A_49] : memref<26x32x16384xf32, #tpu.memory_space<hbm>> -> memref<1x1x16384xf32, #tpu.memory_space<hbm>>
        %dma_wait3A_51 = tpu.memref_squeeze %dma_wait3A_50 : memref<1x1x16384xf32, #tpu.memory_space<hbm>> -> memref<16384xf32, #tpu.memory_space<hbm>>
        %dma_wait3A_52 = arith.constant 0 : i32
        %dma_wait3A_53 = tpu.memref_slice %arg4[%dma_wait3A_47, %dma_wait3A_48, %dma_wait3A_52] : memref<26x32x16384xf32, #tpu.memory_space<hbm>> -> memref<1x1x16384xf32, #tpu.memory_space<hbm>>
        %dma_wait3A_54 = tpu.memref_squeeze %dma_wait3A_53 : memref<1x1x16384xf32, #tpu.memory_space<hbm>> -> memref<16384xf32, #tpu.memory_space<hbm>>
        tpu.wait_dma2 semaphore(%arg9 : memref<!tpu.dma_semaphore, #tpu.memory_space<semaphore_mem>>) src(%dma_wait3A_54 : memref<16384xf32, #tpu.memory_space<hbm>>) dst(%arg7 : memref<16384xf32, #tpu.memory_space<vmem>>)
        %sub3A = arith.constant 2 : i32
        %sub3A_55 = arith.subi %add3A_26, %sub3A : i32
        "tpu.region"() ({
          %run_scoped3A_56 = tpu.sem_alloc : memref<!tpu.dma_semaphore, #tpu.memory_space<semaphore_mem>>
          %dma_start3A_57 = arith.constant 0 : i32
          %dma_start3A_58 = tpu.memref_slice %arg4[%sub3A_55, %add3A, %dma_start3A_57] : memref<26x32x16384xf32, #tpu.memory_space<hbm>> -> memref<1x1x16384xf32, #tpu.memory_space<hbm>>
          %dma_start3A_59 = tpu.memref_squeeze %dma_start3A_58 : memref<1x1x16384xf32, #tpu.memory_space<hbm>> -> memref<16384xf32, #tpu.memory_space<hbm>>
          %dma_start3A_60 = arith.constant 0 : i32
          %dma_start3A_61 = tpu.memref_slice %arg4[%sub3A_55, %add3A, %dma_start3A_60] : memref<26x32x16384xf32, #tpu.memory_space<hbm>> -> memref<1x1x16384xf32, #tpu.memory_space<hbm>>
          %dma_start3A_62 = tpu.memref_squeeze %dma_start3A_61 : memref<1x1x16384xf32, #tpu.memory_space<hbm>> -> memref<16384xf32, #tpu.memory_space<hbm>>
          tpu.enqueue_dma source(%arg7 : memref<16384xf32, #tpu.memory_space<vmem>>) target(%dma_start3A_62 : memref<16384xf32, #tpu.memory_space<hbm>>) target_semaphore(%run_scoped3A_56 : memref<!tpu.dma_semaphore, #tpu.memory_space<semaphore_mem>>)
          %dma_wait3A_63 = arith.constant 0 : i32
          %dma_wait3A_64 = tpu.memref_slice %arg4[%sub3A_55, %add3A, %dma_wait3A_63] : memref<26x32x16384xf32, #tpu.memory_space<hbm>> -> memref<1x1x16384xf32, #tpu.memory_space<hbm>>
          %dma_wait3A_65 = tpu.memref_squeeze %dma_wait3A_64 : memref<1x1x16384xf32, #tpu.memory_space<hbm>> -> memref<16384xf32, #tpu.memory_space<hbm>>
          %dma_wait3A_66 = arith.constant 0 : i32
          %dma_wait3A_67 = tpu.memref_slice %arg4[%sub3A_55, %add3A, %dma_wait3A_66] : memref<26x32x16384xf32, #tpu.memory_space<hbm>> -> memref<1x1x16384xf32, #tpu.memory_space<hbm>>
          %dma_wait3A_68 = tpu.memref_squeeze %dma_wait3A_67 : memref<1x1x16384xf32, #tpu.memory_space<hbm>> -> memref<16384xf32, #tpu.memory_space<hbm>>
          tpu.wait_dma2 semaphore(%run_scoped3A_56 : memref<!tpu.dma_semaphore, #tpu.memory_space<semaphore_mem>>) src(%arg7 : memref<16384xf32, #tpu.memory_space<vmem>>) dst(%dma_wait3A_68 : memref<16384xf32, #tpu.memory_space<hbm>>)
          tpu.yield
        }) : () -> ()
      } else {
      }
      "tpu.region"() ({
        %run_scoped3A_47 = tpu.sem_alloc : memref<!tpu.dma_semaphore, #tpu.memory_space<semaphore_mem>>
        %dma_start3A_48 = arith.constant 0 : i32
        %dma_start3A_49 = tpu.memref_slice %arg2[%add3A_26, %dma_start3A_48] : memref<26x16384xi32, #tpu.memory_space<hbm>> -> memref<1x16384xi32, #tpu.memory_space<hbm>>
        %dma_start3A_50 = tpu.memref_squeeze %dma_start3A_49 : memref<1x16384xi32, #tpu.memory_space<hbm>> -> memref<16384xi32, #tpu.memory_space<hbm>>
        %dma_start3A_51 = arith.constant 0 : i32
        %dma_start3A_52 = tpu.memref_slice %arg2[%add3A_26, %dma_start3A_51] : memref<26x16384xi32, #tpu.memory_space<hbm>> -> memref<1x16384xi32, #tpu.memory_space<hbm>>
        %dma_start3A_53 = tpu.memref_squeeze %dma_start3A_52 : memref<1x16384xi32, #tpu.memory_space<hbm>> -> memref<16384xi32, #tpu.memory_space<hbm>>
        tpu.enqueue_dma source(%dma_start3A_53 : memref<16384xi32, #tpu.memory_space<hbm>>) target(%arg5 : memref<16384xi32, #tpu.memory_space<vmem>>) target_semaphore(%run_scoped3A_47 : memref<!tpu.dma_semaphore, #tpu.memory_space<semaphore_mem>>)
        %dma_wait3A_54 = arith.constant 0 : i32
        %dma_wait3A_55 = tpu.memref_slice %arg2[%add3A_26, %dma_wait3A_54] : memref<26x16384xi32, #tpu.memory_space<hbm>> -> memref<1x16384xi32, #tpu.memory_space<hbm>>
        %dma_wait3A_56 = tpu.memref_squeeze %dma_wait3A_55 : memref<1x16384xi32, #tpu.memory_space<hbm>> -> memref<16384xi32, #tpu.memory_space<hbm>>
        %dma_wait3A_57 = arith.constant 0 : i32
        %dma_wait3A_58 = tpu.memref_slice %arg2[%add3A_26, %dma_wait3A_57] : memref<26x16384xi32, #tpu.memory_space<hbm>> -> memref<1x16384xi32, #tpu.memory_space<hbm>>
        %dma_wait3A_59 = tpu.memref_squeeze %dma_wait3A_58 : memref<1x16384xi32, #tpu.memory_space<hbm>> -> memref<16384xi32, #tpu.memory_space<hbm>>
        tpu.wait_dma2 semaphore(%run_scoped3A_47 : memref<!tpu.dma_semaphore, #tpu.memory_space<semaphore_mem>>) src(%dma_wait3A_59 : memref<16384xi32, #tpu.memory_space<hbm>>) dst(%arg5 : memref<16384xi32, #tpu.memory_space<vmem>>)
        tpu.yield
      }) : () -> ()
      %dma_start3A = arith.constant 0 : i32
      %dma_start3A_29 = tpu.memref_slice %arg3[%add3A_26, %add3A, %dma_start3A] : memref<26x32x100000xf32, #tpu.memory_space<hbm>> -> memref<1x1x100000xf32, #tpu.memory_space<hbm>>
      %dma_start3A_30 = tpu.memref_squeeze %dma_start3A_29 : memref<1x1x100000xf32, #tpu.memory_space<hbm>> -> memref<100000xf32, #tpu.memory_space<hbm>>
      %dma_start3A_31 = arith.constant 0 : i32
      %dma_start3A_32 = tpu.memref_slice %dma_start3A_30[%dma_start3A_31] : memref<100000xf32, #tpu.memory_space<hbm>> -> memref<100000xf32, #tpu.memory_space<hbm>>
      tpu.enqueue_indirect_dma source(%dma_start3A_32 : memref<100000xf32, #tpu.memory_space<hbm>>) target(%arg7 : memref<16384xf32, #tpu.memory_space<vmem>>) offsets(%arg5 : memref<16384xi32, #tpu.memory_space<vmem>>) semaphore(%arg9 : memref<!tpu.dma_semaphore, #tpu.memory_space<semaphore_mem>>)
      %mul3A_33 = arith.constant 2 : i32
      %mul3A_34 = arith.muli %scan3A_22, %mul3A_33 : i32
      %add3A_35 = arith.constant 1 : i32
      %add3A_36 = arith.addi %mul3A_34, %add3A_35 : i32
      %ge3A_37 = arith.constant 2 : i32
      %ge3A_38 = arith.cmpi sge, %add3A_36, %ge3A_37 : i32
      %convert_element_type3A_39 = arith.extui %ge3A_38 : i1 to i32
      %cond3A_40 = arith.constant 0 : i32
      %cond3A_41 = arith.cmpi ne, %convert_element_type3A_39, %cond3A_40 : i32
      scf.if %cond3A_41 {
        %dma_wait3A_47 = arith.constant 0 : i32
        %dma_wait3A_48 = arith.constant 0 : i32
        %dma_wait3A_49 = arith.constant 0 : i32
        %dma_wait3A_50 = tpu.memref_slice %arg4[%dma_wait3A_47, %dma_wait3A_48, %dma_wait3A_49] : memref<26x32x16384xf32, #tpu.memory_space<hbm>> -> memref<1x1x16384xf32, #tpu.memory_space<hbm>>
        %dma_wait3A_51 = tpu.memref_squeeze %dma_wait3A_50 : memref<1x1x16384xf32, #tpu.memory_space<hbm>> -> memref<16384xf32, #tpu.memory_space<hbm>>
        %dma_wait3A_52 = arith.constant 0 : i32
        %dma_wait3A_53 = tpu.memref_slice %arg4[%dma_wait3A_47, %dma_wait3A_48, %dma_wait3A_52] : memref<26x32x16384xf32, #tpu.memory_space<hbm>> -> memref<1x1x16384xf32, #tpu.memory_space<hbm>>
        %dma_wait3A_54 = tpu.memref_squeeze %dma_wait3A_53 : memref<1x1x16384xf32, #tpu.memory_space<hbm>> -> memref<16384xf32, #tpu.memory_space<hbm>>
        tpu.wait_dma2 semaphore(%arg10 : memref<!tpu.dma_semaphore, #tpu.memory_space<semaphore_mem>>) src(%dma_wait3A_54 : memref<16384xf32, #tpu.memory_space<hbm>>) dst(%arg8 : memref<16384xf32, #tpu.memory_space<vmem>>)
        %sub3A = arith.constant 2 : i32
        %sub3A_55 = arith.subi %add3A_36, %sub3A : i32
        "tpu.region"() ({
          %run_scoped3A_56 = tpu.sem_alloc : memref<!tpu.dma_semaphore, #tpu.memory_space<semaphore_mem>>
          %dma_start3A_57 = arith.constant 0 : i32
          %dma_start3A_58 = tpu.memref_slice %arg4[%sub3A_55, %add3A, %dma_start3A_57] : memref<26x32x16384xf32, #tpu.memory_space<hbm>> -> memref<1x1x16384xf32, #tpu.memory_space<hbm>>
          %dma_start3A_59 = tpu.memref_squeeze %dma_start3A_58 : memref<1x1x16384xf32, #tpu.memory_space<hbm>> -> memref<16384xf32, #tpu.memory_space<hbm>>
          %dma_start3A_60 = arith.constant 0 : i32
          %dma_start3A_61 = tpu.memref_slice %arg4[%sub3A_55, %add3A, %dma_start3A_60] : memref<26x32x16384xf32, #tpu.memory_space<hbm>> -> memref<1x1x16384xf32, #tpu.memory_space<hbm>>
          %dma_start3A_62 = tpu.memref_squeeze %dma_start3A_61 : memref<1x1x16384xf32, #tpu.memory_space<hbm>> -> memref<16384xf32, #tpu.memory_space<hbm>>
          tpu.enqueue_dma source(%arg8 : memref<16384xf32, #tpu.memory_space<vmem>>) target(%dma_start3A_62 : memref<16384xf32, #tpu.memory_space<hbm>>) target_semaphore(%run_scoped3A_56 : memref<!tpu.dma_semaphore, #tpu.memory_space<semaphore_mem>>)
          %dma_wait3A_63 = arith.constant 0 : i32
          %dma_wait3A_64 = tpu.memref_slice %arg4[%sub3A_55, %add3A, %dma_wait3A_63] : memref<26x32x16384xf32, #tpu.memory_space<hbm>> -> memref<1x1x16384xf32, #tpu.memory_space<hbm>>
          %dma_wait3A_65 = tpu.memref_squeeze %dma_wait3A_64 : memref<1x1x16384xf32, #tpu.memory_space<hbm>> -> memref<16384xf32, #tpu.memory_space<hbm>>
          %dma_wait3A_66 = arith.constant 0 : i32
          %dma_wait3A_67 = tpu.memref_slice %arg4[%sub3A_55, %add3A, %dma_wait3A_66] : memref<26x32x16384xf32, #tpu.memory_space<hbm>> -> memref<1x1x16384xf32, #tpu.memory_space<hbm>>
          %dma_wait3A_68 = tpu.memref_squeeze %dma_wait3A_67 : memref<1x1x16384xf32, #tpu.memory_space<hbm>> -> memref<16384xf32, #tpu.memory_space<hbm>>
          tpu.wait_dma2 semaphore(%run_scoped3A_56 : memref<!tpu.dma_semaphore, #tpu.memory_space<semaphore_mem>>) src(%arg8 : memref<16384xf32, #tpu.memory_space<vmem>>) dst(%dma_wait3A_68 : memref<16384xf32, #tpu.memory_space<hbm>>)
          tpu.yield
        }) : () -> ()
      } else {
      }
      "tpu.region"() ({
        %run_scoped3A_47 = tpu.sem_alloc : memref<!tpu.dma_semaphore, #tpu.memory_space<semaphore_mem>>
        %dma_start3A_48 = arith.constant 0 : i32
        %dma_start3A_49 = tpu.memref_slice %arg2[%add3A_36, %dma_start3A_48] : memref<26x16384xi32, #tpu.memory_space<hbm>> -> memref<1x16384xi32, #tpu.memory_space<hbm>>
        %dma_start3A_50 = tpu.memref_squeeze %dma_start3A_49 : memref<1x16384xi32, #tpu.memory_space<hbm>> -> memref<16384xi32, #tpu.memory_space<hbm>>
        %dma_start3A_51 = arith.constant 0 : i32
        %dma_start3A_52 = tpu.memref_slice %arg2[%add3A_36, %dma_start3A_51] : memref<26x16384xi32, #tpu.memory_space<hbm>> -> memref<1x16384xi32, #tpu.memory_space<hbm>>
        %dma_start3A_53 = tpu.memref_squeeze %dma_start3A_52 : memref<1x16384xi32, #tpu.memory_space<hbm>> -> memref<16384xi32, #tpu.memory_space<hbm>>
        tpu.enqueue_dma source(%dma_start3A_53 : memref<16384xi32, #tpu.memory_space<hbm>>) target(%arg6 : memref<16384xi32, #tpu.memory_space<vmem>>) target_semaphore(%run_scoped3A_47 : memref<!tpu.dma_semaphore, #tpu.memory_space<semaphore_mem>>)
        %dma_wait3A_54 = arith.constant 0 : i32
        %dma_wait3A_55 = tpu.memref_slice %arg2[%add3A_36, %dma_wait3A_54] : memref<26x16384xi32, #tpu.memory_space<hbm>> -> memref<1x16384xi32, #tpu.memory_space<hbm>>
        %dma_wait3A_56 = tpu.memref_squeeze %dma_wait3A_55 : memref<1x16384xi32, #tpu.memory_space<hbm>> -> memref<16384xi32, #tpu.memory_space<hbm>>
        %dma_wait3A_57 = arith.constant 0 : i32
        %dma_wait3A_58 = tpu.memref_slice %arg2[%add3A_36, %dma_wait3A_57] : memref<26x16384xi32, #tpu.memory_space<hbm>> -> memref<1x16384xi32, #tpu.memory_space<hbm>>
        %dma_wait3A_59 = tpu.memref_squeeze %dma_wait3A_58 : memref<1x16384xi32, #tpu.memory_space<hbm>> -> memref<16384xi32, #tpu.memory_space<hbm>>
        tpu.wait_dma2 semaphore(%run_scoped3A_47 : memref<!tpu.dma_semaphore, #tpu.memory_space<semaphore_mem>>) src(%dma_wait3A_59 : memref<16384xi32, #tpu.memory_space<hbm>>) dst(%arg6 : memref<16384xi32, #tpu.memory_space<vmem>>)
        tpu.yield
      }) : () -> ()
      %dma_start3A_42 = arith.constant 0 : i32
      %dma_start3A_43 = tpu.memref_slice %arg3[%add3A_36, %add3A, %dma_start3A_42] : memref<26x32x100000xf32, #tpu.memory_space<hbm>> -> memref<1x1x100000xf32, #tpu.memory_space<hbm>>
      %dma_start3A_44 = tpu.memref_squeeze %dma_start3A_43 : memref<1x1x100000xf32, #tpu.memory_space<hbm>> -> memref<100000xf32, #tpu.memory_space<hbm>>
      %dma_start3A_45 = arith.constant 0 : i32
      %dma_start3A_46 = tpu.memref_slice %dma_start3A_44[%dma_start3A_45] : memref<100000xf32, #tpu.memory_space<hbm>> -> memref<100000xf32, #tpu.memory_space<hbm>>
      tpu.enqueue_indirect_dma source(%dma_start3A_46 : memref<100000xf32, #tpu.memory_space<hbm>>) target(%arg8 : memref<16384xf32, #tpu.memory_space<vmem>>) offsets(%arg6 : memref<16384xi32, #tpu.memory_space<vmem>>) semaphore(%arg10 : memref<!tpu.dma_semaphore, #tpu.memory_space<semaphore_mem>>)
    }
    %scan3A_5 = arith.constant 13 : i32
    %dma_wait3A = arith.constant 0 : i32
    %dma_wait3A_6 = arith.constant 0 : i32
    %dma_wait3A_7 = arith.constant 0 : i32
    %dma_wait3A_8 = tpu.memref_slice %arg4[%dma_wait3A, %dma_wait3A_6, %dma_wait3A_7] : memref<26x32x16384xf32, #tpu.memory_space<hbm>> -> memref<1x1x16384xf32, #tpu.memory_space<hbm>>
    %dma_wait3A_9 = tpu.memref_squeeze %dma_wait3A_8 : memref<1x1x16384xf32, #tpu.memory_space<hbm>> -> memref<16384xf32, #tpu.memory_space<hbm>>
    %dma_wait3A_10 = arith.constant 0 : i32
    %dma_wait3A_11 = tpu.memref_slice %arg4[%dma_wait3A, %dma_wait3A_6, %dma_wait3A_10] : memref<26x32x16384xf32, #tpu.memory_space<hbm>> -> memref<1x1x16384xf32, #tpu.memory_space<hbm>>
    %dma_wait3A_12 = tpu.memref_squeeze %dma_wait3A_11 : memref<1x1x16384xf32, #tpu.memory_space<hbm>> -> memref<16384xf32, #tpu.memory_space<hbm>>
    tpu.wait_dma2 semaphore(%arg9 : memref<!tpu.dma_semaphore, #tpu.memory_space<semaphore_mem>>) src(%dma_wait3A_12 : memref<16384xf32, #tpu.memory_space<hbm>>) dst(%arg7 : memref<16384xf32, #tpu.memory_space<vmem>>)
    %run_scoped3A = arith.constant 24 : i32
    "tpu.region"() ({
      %run_scoped3A_22 = tpu.sem_alloc : memref<!tpu.dma_semaphore, #tpu.memory_space<semaphore_mem>>
      %dma_start3A = arith.constant 0 : i32
      %dma_start3A_23 = tpu.memref_slice %arg4[%run_scoped3A, %add3A, %dma_start3A] : memref<26x32x16384xf32, #tpu.memory_space<hbm>> -> memref<1x1x16384xf32, #tpu.memory_space<hbm>>
      %dma_start3A_24 = tpu.memref_squeeze %dma_start3A_23 : memref<1x1x16384xf32, #tpu.memory_space<hbm>> -> memref<16384xf32, #tpu.memory_space<hbm>>
      %dma_start3A_25 = arith.constant 0 : i32
      %dma_start3A_26 = tpu.memref_slice %arg4[%run_scoped3A, %add3A, %dma_start3A_25] : memref<26x32x16384xf32, #tpu.memory_space<hbm>> -> memref<1x1x16384xf32, #tpu.memory_space<hbm>>
      %dma_start3A_27 = tpu.memref_squeeze %dma_start3A_26 : memref<1x1x16384xf32, #tpu.memory_space<hbm>> -> memref<16384xf32, #tpu.memory_space<hbm>>
      tpu.enqueue_dma source(%arg7 : memref<16384xf32, #tpu.memory_space<vmem>>) target(%dma_start3A_27 : memref<16384xf32, #tpu.memory_space<hbm>>) target_semaphore(%run_scoped3A_22 : memref<!tpu.dma_semaphore, #tpu.memory_space<semaphore_mem>>)
      %dma_wait3A_28 = arith.constant 0 : i32
      %dma_wait3A_29 = tpu.memref_slice %arg4[%run_scoped3A, %add3A, %dma_wait3A_28] : memref<26x32x16384xf32, #tpu.memory_space<hbm>> -> memref<1x1x16384xf32, #tpu.memory_space<hbm>>
      %dma_wait3A_30 = tpu.memref_squeeze %dma_wait3A_29 : memref<1x1x16384xf32, #tpu.memory_space<hbm>> -> memref<16384xf32, #tpu.memory_space<hbm>>
      %dma_wait3A_31 = arith.constant 0 : i32
      %dma_wait3A_32 = tpu.memref_slice %arg4[%run_scoped3A, %add3A, %dma_wait3A_31] : memref<26x32x16384xf32, #tpu.memory_space<hbm>> -> memref<1x1x16384xf32, #tpu.memory_space<hbm>>
      %dma_wait3A_33 = tpu.memref_squeeze %dma_wait3A_32 : memref<1x1x16384xf32, #tpu.memory_space<hbm>> -> memref<16384xf32, #tpu.memory_space<hbm>>
      tpu.wait_dma2 semaphore(%run_scoped3A_22 : memref<!tpu.dma_semaphore, #tpu.memory_space<semaphore_mem>>) src(%arg7 : memref<16384xf32, #tpu.memory_space<vmem>>) dst(%dma_wait3A_33 : memref<16384xf32, #tpu.memory_space<hbm>>)
      tpu.yield
    }) : () -> ()
    %dma_wait3A_13 = arith.constant 0 : i32
    %dma_wait3A_14 = arith.constant 0 : i32
    %dma_wait3A_15 = arith.constant 0 : i32
    %dma_wait3A_16 = tpu.memref_slice %arg4[%dma_wait3A_13, %dma_wait3A_14, %dma_wait3A_15] : memref<26x32x16384xf32, #tpu.memory_space<hbm>> -> memref<1x1x16384xf32, #tpu.memory_space<hbm>>
    %dma_wait3A_17 = tpu.memref_squeeze %dma_wait3A_16 : memref<1x1x16384xf32, #tpu.memory_space<hbm>> -> memref<16384xf32, #tpu.memory_space<hbm>>
    %dma_wait3A_18 = arith.constant 0 : i32
    %dma_wait3A_19 = tpu.memref_slice %arg4[%dma_wait3A_13, %dma_wait3A_14, %dma_wait3A_18] : memref<26x32x16384xf32, #tpu.memory_space<hbm>> -> memref<1x1x16384xf32, #tpu.memory_space<hbm>>
    %dma_wait3A_20 = tpu.memref_squeeze %dma_wait3A_19 : memref<1x1x16384xf32, #tpu.memory_space<hbm>> -> memref<16384xf32, #tpu.memory_space<hbm>>
    tpu.wait_dma2 semaphore(%arg10 : memref<!tpu.dma_semaphore, #tpu.memory_space<semaphore_mem>>) src(%dma_wait3A_20 : memref<16384xf32, #tpu.memory_space<hbm>>) dst(%arg8 : memref<16384xf32, #tpu.memory_space<vmem>>)
    %run_scoped3A_21 = arith.constant 25 : i32
    "tpu.region"() ({
      %run_scoped3A_22 = tpu.sem_alloc : memref<!tpu.dma_semaphore, #tpu.memory_space<semaphore_mem>>
      %dma_start3A = arith.constant 0 : i32
      %dma_start3A_23 = tpu.memref_slice %arg4[%run_scoped3A_21, %add3A, %dma_start3A] : memref<26x32x16384xf32, #tpu.memory_space<hbm>> -> memref<1x1x16384xf32, #tpu.memory_space<hbm>>
      %dma_start3A_24 = tpu.memref_squeeze %dma_start3A_23 : memref<1x1x16384xf32, #tpu.memory_space<hbm>> -> memref<16384xf32, #tpu.memory_space<hbm>>
      %dma_start3A_25 = arith.constant 0 : i32
      %dma_start3A_26 = tpu.memref_slice %arg4[%run_scoped3A_21, %add3A, %dma_start3A_25] : memref<26x32x16384xf32, #tpu.memory_space<hbm>> -> memref<1x1x16384xf32, #tpu.memory_space<hbm>>
      %dma_start3A_27 = tpu.memref_squeeze %dma_start3A_26 : memref<1x1x16384xf32, #tpu.memory_space<hbm>> -> memref<16384xf32, #tpu.memory_space<hbm>>
      tpu.enqueue_dma source(%arg8 : memref<16384xf32, #tpu.memory_space<vmem>>) target(%dma_start3A_27 : memref<16384xf32, #tpu.memory_space<hbm>>) target_semaphore(%run_scoped3A_22 : memref<!tpu.dma_semaphore, #tpu.memory_space<semaphore_mem>>)
      %dma_wait3A_28 = arith.constant 0 : i32
      %dma_wait3A_29 = tpu.memref_slice %arg4[%run_scoped3A_21, %add3A, %dma_wait3A_28] : memref<26x32x16384xf32, #tpu.memory_space<hbm>> -> memref<1x1x16384xf32, #tpu.memory_space<hbm>>
      %dma_wait3A_30 = tpu.memref_squeeze %dma_wait3A_29 : memref<1x1x16384xf32, #tpu.memory_space<hbm>> -> memref<16384xf32, #tpu.memory_space<hbm>>
      %dma_wait3A_31 = arith.constant 0 : i32
      %dma_wait3A_32 = tpu.memref_slice %arg4[%run_scoped3A_21, %add3A, %dma_wait3A_31] : memref<26x32x16384xf32, #tpu.memory_space<hbm>> -> memref<1x1x16384xf32, #tpu.memory_space<hbm>>
      %dma_wait3A_33 = tpu.memref_squeeze %dma_wait3A_32 : memref<1x1x16384xf32, #tpu.memory_space<hbm>> -> memref<16384xf32, #tpu.memory_space<hbm>>
      tpu.wait_dma2 semaphore(%run_scoped3A_22 : memref<!tpu.dma_semaphore, #tpu.memory_space<semaphore_mem>>) src(%arg8 : memref<16384xf32, #tpu.memory_space<vmem>>) dst(%dma_wait3A_33 : memref<16384xf32, #tpu.memory_space<hbm>>)
      tpu.yield
    }) : () -> ()
    return
  }
}

</mosaic_0001>

<sc_bundles>
// kernel: kernel.3.cloned.1.call-start
scs
__scs_entry_jumppad:
0x0: {  	(pc) =	sbr.rel $0x88, $3  }
0x1: {  	(tag) =	ssettag $0x0;
	lr =	simm.s32 $0x1  }
0x2: {  	[smem:$0x3F9F] =	sst lr;
	_ =	strace $0xD0000000  }
0x3: {  	_ = 	snop  }
0x4: {  	_ = 	snop  }
0x5: {  	_ = 	snop  }
0x6: {  	_ = 	snop  }
0x7: {  	_ = 	snop  }
__scs_overlays_trampoline_lowered:
0x8: {  	[smem:$0x3FAE] =	sst s0  }
0x9: {  	[smem:$0x3FAF] =	sst s1  }
0xa: {  	[smem:$0x3FB0] =	sst s2  }
0xb: {  	[smem:$0x3FB1] =	sst s3  }
0xc: {  	[smem:$0x3FB2] =	sst s4  }
0xd: {  	[smem:$0x3FB3] =	sst s5  }
0xe: {  	[smem:$0x3FB4] =	sst s6  }
0xf: {  	[smem:$0x3FB5] =	sst s7  }
0x10: {  	[smem:$0x3FB6] =	sst s8  }
0x11: {  	[smem:$0x3FB7] =	sst s9;
	s0 =	simm.s32 @!p0 $0x0  }
0x12: {  	s1 =	sld [smem:$0x3F9D];
	s0 =	simm.s32 @p0 $0x1  }
0x13: {  	[smem:$0x3FB8] =	sst s0;
	s0 =	simm.s32 @!p1 $0x0  }
0x14: {  	s2 =	sld [smem:$0x3F9C];
	s0 =	simm.s32 @p1 $0x1  }
0x15: {  	[smem:$0x3FB9] =	sst s0;
	s0 =	simm.s32 @!p2 $0x0  }
0x16: {  	s3 =	sld [smem:$0x3FDB];
	s0 =	simm.s32 @p2 $0x1  }
0x17: {  	s4 =	simm.s32 $0x1BF5;
	[smem:$0x3FBB] =	sst s0  }
0x18: {  	s0 =	sld [smem:$0x3F9E];
	_ =	swait.ge [sflag:s4], $0x0  }
0x19: {  	s7 =	sld [smem:$0x3F9F]  }
0x1a: {  	s8 =	sadd.s32 $0xFFFFE003, lr  }
0x1b: {  	s9 =	sadd.s32 $0xFFFFFEF7, lr;
	s5 =	simm.s32 $0xFFFFFFFF;
	p2 =	slt.u32 s8, $0xFFFFF086  }
0x1c: {  	p1 =	slt.u32 s9, $0xF7A;
	s5 =	simm.s32 @!p2 $0x0  }
0x1d: {  	s5 =	simm.s32 @p1 $0x1;
	p0 =	seq.s32 s7, s2  }
0x1e: {  	s7 =	smul.u32 @!p0 $0xF7A, s2;
	p2 =	seq.s32 @!p0 s5, $0x0  }
0x1f: {  	s9 =	smul.u32 $0xF7A, s1;
	s8 =	simm.s32 @!p0 $0x1BF5;
	p2 =	por !p2, p0  }
0x20: {  	[sflag:s8] =	ssyncset.s32 @!p0 $0xFFFFF086;
	s6 =	sadd.s32 @!p0 s3, s7;
	s7 =	simm.s32 @!p0 $0x108  }
0x21: {  	s3 =	sadd.s32 s3, s9;
	s6 =	sadd.s32 @!p0 $0x88, s6;
	s7 =	simm.s32 @p2 $0x1082  }
0x22: {  	[simem:s7], [sflag:s8] =	dma.local @!p0 [hbm:s6], $0xF7A  }
0x23: {  	s9 =	sor.u32 $0xD0000000, s2;
	s6 =	simm.s32 $0x108;
	_ =	swait.ge @!p0 [sflag:s8], $0x0  }
0x24: {  	s3 =	sadd.s32 $0x88, s3;
	s6 =	simm.s32 @!p1 $0x1082;
	[sflag:s4] =	ssyncset.s32 $0xFFFFF086  }
0x25: {  	[simem:s6], [sflag:s4] =	dma.local [hbm:s3], $0xF7A  }
0x26: {  	[smem:$0x3F9F] =	sst s1;
	(tag) =	ssettag s2;
	_ =	strace s9  }
0x27: {  	s1 =	sld [smem:$0x3FAF]  }
0x28: {  	s2 =	sld [smem:$0x3FB0]  }
0x29: {  	s4 =	sld [smem:$0x3FB2]  }
0x2a: {  	p0 =	seq.s32 s5, $0x0;
	s5 =	sld [smem:$0x3FB3]  }
0x2b: {  	s6 =	sld [smem:$0x3FB4]  }
0x2c: {  	s7 =	sld [smem:$0x3FB5]  }
0x2d: {  	s3 =	simm.s32 $0x108;
	s8 =	sld [smem:$0x3FB6]  }
0x2e: {  	s3 =	simm.s32 @!p0 $0x1082;
	s9 =	sld [smem:$0x3FB7]  }
0x2f: {  	lr =	sadd.s32 s0, s3;
	s0 =	sld [smem:$0x3FAE]  }
0x30: {  	s3 =	sld [smem:$0x3FB1]  }
0x31: {  	[smem:$0x3FBA] =	sst s10  }
0x32: {  	s10 =	sld [smem:$0x3FB8];
	_ =	sdelay $0x3  }
0x33: {  	p0 =	seq.s32 s10, $0x1;
	s10 =	sld [smem:$0x3FBA];
	_ =	sdelay $0x3  }
0x34: {  	[smem:$0x3FBA] =	sst s10  }
0x35: {  	s10 =	sld [smem:$0x3FB9];
	_ =	sdelay $0x3  }
0x36: {  	p1 =	seq.s32 s10, $0x1;
	s10 =	sld [smem:$0x3FBA];
	_ =	sdelay $0x3  }
0x37: {  	[smem:$0x3FBA] =	sst s10  }
0x38: {  	s10 =	sld [smem:$0x3FBB]  }
0x39: {  	_ = 	snop;
	(pc) =	sbr.ind lr, $3  }
0x3a: {  	_ = 	snop  }
0x3b: {  	_ = 	snop  }
0x3c: {  	p2 =	seq.s32 s10, $0x1;
	s10 =	sld [smem:$0x3FBA]  }
0x3d: {  	_ =	shalt  }
0x3e: {  	_ =	shalt  }
0x3f: {  	_ =	shalt  }
0x40: {  	_ =	shalt  }
0x41: {  	_ =	shalt  }
0x42: {  	_ =	shalt  }
0x43: {  	_ =	shalt  }
0x44: {  	_ =	shalt  }
0x45: {  	_ =	shalt  }
0x46: {  	_ =	shalt  }
0x47: {  	_ =	shalt  }
0x48: {  	_ =	shalt  }
0x49: {  	_ =	shalt  }
0x4a: {  	_ =	shalt  }
0x4b: {  	_ =	shalt  }
0x4c: {  	_ =	shalt  }
0x4d: {  	_ =	shalt  }
0x4e: {  	_ =	shalt  }
0x4f: {  	_ =	shalt  }
0x50: {  	_ =	shalt  }
0x51: {  	_ =	shalt  }
0x52: {  	_ =	shalt  }
0x53: {  	_ =	shalt  }
0x54: {  	_ =	shalt  }
0x55: {  	_ =	shalt  }
0x56: {  	_ =	shalt  }
0x57: {  	_ =	shalt  }
0x58: {  	_ =	shalt  }
0x59: {  	_ =	shalt  }
0x5a: {  	_ =	shalt  }
0x5b: {  	_ =	shalt  }
0x5c: {  	_ =	shalt  }
0x5d: {  	_ =	shalt  }
0x5e: {  	_ =	shalt  }
0x5f: {  	_ =	shalt  }
0x60: {  	_ =	shalt  }
0x61: {  	_ =	shalt  }
0x62: {  	_ =	shalt  }
0x63: {  	_ =	shalt  }
0x64: {  	_ =	shalt  }
0x65: {  	_ =	shalt  }
0x66: {  	_ =	shalt  }
0x67: {  	_ =	shalt  }
0x68: {  	_ =	shalt  }
0x69: {  	_ =	shalt  }
0x6a: {  	_ =	shalt  }
0x6b: {  	_ =	shalt  }
0x6c: {  	_ =	shalt  }
0x6d: {  	_ =	shalt  }
0x6e: {  	_ =	shalt  }
0x6f: {  	_ =	shalt  }
0x70: {  	_ =	shalt  }
0x71: {  	_ =	shalt  }
0x72: {  	_ =	shalt  }
0x73: {  	_ =	shalt  }
0x74: {  	_ =	shalt  }
0x75: {  	_ =	shalt  }
0x76: {  	_ =	shalt  }
0x77: {  	_ =	shalt  }
0x78: {  	_ =	shalt  }
0x79: {  	_ =	shalt  }
0x7a: {  	_ =	shalt  }
0x7b: {  	_ =	shalt  }
0x7c: {  	_ =	shalt  }
0x7d: {  	_ =	shalt  }
0x7e: {  	_ =	shalt  }
0x7f: {  	_ =	shalt  }
0x80: {  	_ =	shalt  }
0x81: {  	_ =	shalt  }
0x82: {  	_ =	shalt  }
0x83: {  	_ =	shalt  }
0x84: {  	_ =	shalt  }
0x85: {  	_ =	shalt  }
0x86: {  	_ =	shalt  }
0x87: {  	_ =	shalt  }
.Lfunc_end0:
.L_simem_size_0:
called_computation_lowered:
.L_overlay_start_0:
0x88: {  	s2 =	sld [smem:$0x3FD9]  }
0x89: {  	s3 =	sld [smem:$0x3FFE];
	_ =	sdelay $0x1  }
0x8a: {  	s1 =	srdreg.scid  }
0x8b: {  	s0 =	sand.u32 $0x1, s1  }
0x8c: {  	s17 =	sshll.u32 s0, $0xA;
	s2 =	sadd.s32 s3, s2  }
0x8d: {  	s2 =	sadd.s32 s2, s17  }
0x8e: {  	[smem:$0x3FC6] =	sst s2  }
0x8f: {  	_ = 	snop  }
0x90: {  	s2 =	sld [smem:$0x3FD0];
	(tm) =	ssettm $0x1  }
0x91: {  	s18 =	sld [smem:$0x3FFB];
	_ =	sdelay $0x3  }
0x92: {  	_ =	strace s18  }
0x93: {  	s3 =	sld [smem:$0x3FFC];
	_ =	sdelay $0x3  }
0x94: {  	_ =	strace s3  }
0x95: {  	s3 =	sld [smem:$0x3FFD];
	_ =	sdelay $0x3  }
0x96: {  	_ =	strace s3  }
0x97: {  	_ =	strace $0x8FFFFFFF  }
0x98: {  	s19 =	sld [smem:$0x3FDB];
	_ =	sdelay $0x1  }
0x99: {  	s4 =	simm.s32 $_scs_section_size  }
0x9a: {  	s5 =	simm.s32 $_size__tile_overlayer_lowered;
	s6 =	simm.s32 $_tile_overlayer_lowered  }
0x9b: {  	s22 =	simm.s32 $0x1BFF;
	s21 =	sshll.u32 s6, $0x1;
	s3 =	sadd.s32 s4, s19  }
0x9c: {  	s7 =	simm.s32 $0x0;
	s20 =	sshll.u32 s5, $0x1;
	s5 =	sadd.s32 s21, s3  }
0x9d: {  	[timem:s7], [sflag:s22] =	dma.local [hbm:s5], s20  }
0x9e: {  	_ =	swait.ge [sflag:s22], s20  }
0x9f: {  	s4 =	ssub.s32 $0x0, s20;
	[sflag:s22] =	ssyncset.done $0x0  }
0xa0: {  	[sflag:s22] =	ssyncadd.s32 s4;
	_ =	sdelay $0x1  }
0xa1: {  	s23 =	simm.s32 $0x1B8B  }
0xa2: {  	_ =	swait.ge [sflag:s23], $0x1  }
0xa3: {  	[sflag:s23] =	ssyncset.done $0x0  }
0xa4: {  	s25 =	simm.s32 $0x1B8E;
	s24 =	sld [smem:$0x3FFE];
	[sflag:s23] =	ssyncadd.s32 $0xFFFFFFFF  }
0xa5: {  	s26 =	simm.s32 $execute0_lowered;
	[smem:$0x3FD2] =	sst s25  }
0xa6: {  	s5 =	sshll.u32 s26, $0x1;
	_ =	strace $0x80000046;
	[dreg:$0x1] =	wrdreg $0xFFFFFFFF  }
0xa7: {  	s28 =	simm.s32 $_size_execute0_lowered;
	s3 =	sadd.s32 s3, s5;
	[dreg:$0x0] =	wrdreg $0x0  }
0xa8: {  	s5 =	sshll.u32 s28, $0x1;
	[dreg:$0x2] =	wrdreg s3  }
0xa9: {  	[dreg:$0x3] =	wrdreg s5  }
0xaa: {  	[dreg:$0x4] =	wrdreg $0xC0  }
0xab: {  	_ =	task [dreg:s7], $0x5FFFF  }
0xac: {  	[dreg:$0x1] =	wrdreg $0xFFFFFFFF  }
0xad: {  	[dreg:$0x0] =	wrdreg $0x60  }
0xae: {  	[dreg:$0x2] =	wrdreg s2  }
0xaf: {  	[dreg:$0x3] =	wrdreg s24  }
0xb0: {  	[dreg:$0x4] =	wrdreg $0x9  }
0xb1: {  	_ =	task.clear_ibuf [dreg:s7], $0x5FFFF;
	_ =	strace $0x90000046  }
0xb2: {  	s29 =	simm.s32 $0x9;
	_ =	strace $0x80000048  }
0xb3: {  	_ =	swait.ge [sflag:s29], $0x1  }
0xb4: {  	[sflag:s29] =	ssyncadd.s32 $0xFFFFFFFF  }
0xb5: {  	_ =	strace $0x90000048  }
0xb6: {  	_ =	sfence  }
0xb7: {  	s30 =	sld [smem:$0x0];
	_ =	sdelay $0x2  }
0xb8: {  	s31 =	sshll.u32 s1, $0xD;
	s1 =	sshrl.u32 s1, $0x2  }
0xb9: {  	s3 =	sand.u32 $0x4000, s31;
	s1 =	sadd.s32 s1, s30  }
0xba: {  	s0 =	sor.u32 s3, s0;
	s1 =	sshll.u32 s1, $0x11  }
0xbb: {  	s0 =	sor.u32 s1, s0  }
0xbc: {  	s0 =	sadd.s32 $0x8F2B, s0  }
0xbd: {  	[sflag:s0] =	ssyncadd.remote.s32 $0x1  }
0xbe: {  	_ =	sfence.sel $0xFFFF  }
0xbf: {  	[dreg:$0x0] =	wrdreg $0xFFFFFFFF;
	(pc) =	sbr.abs _section_cstart, $3  }
0xc0: {  	[dreg:$0x1] =	wrdreg $0xFFFFFFFF  }
0xc1: {  	_ =	task.clear_ibuf [dreg:s7], $0x2FFFF;
	_ =	strace $0x9FFFFFFF  }
0xc2: {  	(tm) =	ssettm $0x7FFFFFFF  }
0xc3: {  	_ =	shalt  }
tec
execute0_lowered:
.L_overlay_start_1:
0x0: {  	(tag) =	ssettag $0x1  }
0x1: {  	s1 =	rddreg [dreg:$0x0]  }
0x2: {  	s5 =	rddreg [dreg:$0x1]  }
0x3: {  	s0 =	rddreg [dreg:$0x2]  }
0x4: {  	s3 =	simm.s32 $0x0;
	s4 =	srdreg.scid;
	s2 =	stileid.u32  }
0x5: {  	s16 =	simm.s32 $0x4000;
	s17 =	simm.s32 $0x8000;
	s18 =	simm.s32 $0xC000  }
0x6: {  	s19 =	simm.s32 $0x1;
	s20 =	simm.s32 $0x2;
	s21 =	simm.s32 $0x0  }
0x7: {  	[smem:$0x7FF] =	sst s3;
	s8 =	sand.u32 $0x1, s4;
	s6 =	sshll.u32 s2, $0x1  }
0x8: {  	s4 =	sadd.s32 $0x400, s5;
	s12 =	sadd.s32 $0x9EB600, s5;
	s11 =	smul.u32 $0x30D40, s2  }
0x9: {  	s29 =	sshll.u32 s2, $0xF;
	_ =	strace $0x80000047;
	s6 =	sor.u32 s8, s6  }
0xa: {  	s24 =	ssub.s32 $0x2, s8;
	s13 =	sshll.u32 s8, $0xE;
	s14 =	smul.u32 $0x186A0, s8  }
0xb: {  	s7 =	sshll.u32 s6, $0xB;
	s9 =	sshrl.u32 s24, $0x1;
	s10 =	smul.u32 $0x186A0, s6  }
0xc: {  	s13 =	sor.u32 s13, s29;
	s25 =	sadd.s32 s7, s12;
	s26 =	ssub.s32 s24, s9  }
0xd: {  	s9 =	sadd.s32 $0x800, s1;
	s15 =	sor.u32 $0x80000, s13;
	s14 =	sadd.s32 s14, s11  }
0xe: {  	s13 =	sshrl.u32 s13, $0x3;
	s5 =	sadd.s32 $0x180000, s25;
	s6 =	sadd.s32 $0x190000, s25  }
0xf: {  	s7 =	smax.u32 s26, $0x1;
	s28 =	sshrl.u32 s10, $0x3;
	s30 =	sshrl.u32 s15, $0x3  }
0x10: {  	s31 =	sadd.s32 $0x927C00, s14;
	s8 =	sadd.s32 s4, s28;
	s11 =	sadd.s32 s30, s12  }
0x11: {  	s12 =	sadd.s32 s13, s12;
	s15 =	sshrl.u32 s31, $0x3;
	s13 =	sadd.s32 $0x61A800, s14  }
0x12: {  	s10 =	sadd.s32 $0x61A80, s8;
	s14 =	sadd.s32 s15, s4;
	s15 =	simm.s32 $0x3  }
.LBB2_1:
0x13: {  	[tilespmem:s3], [sflag:$0x3] =	stream.linear.gather [hbm4b:s1+s3], $0x4000, $0x38;
	[tilespmem:$0x10000] =	vst v63  }
0x14: {  	_ =	swait.ge [sflag:s15], $0x4000  }
0x15: {  	[sflag:s15] =	ssyncset.done $0x0  }
0x16: {  	[sflag:s15] =	ssyncadd.s32 $0xFFFFC000  }
0x17: {  	[tilespmem:s17], [sflag:$0x1] =	stream.indirect.gather [hbm4b:s8+s16], $0x1, s3, s16, $0xb8;
	[tilespmem:$0x10000] =	vst v63  }
0x18: {  	_ = 	snop  }
0x19: {  	[tilespmem:s16], [sflag:$0x3] =	stream.linear.gather [hbm4b:s9+s3], $0x4000, $0x38;
	[tilespmem:$0x10000] =	vst v63  }
0x1a: {  	_ =	swait.ge [sflag:s15], $0x4000  }
0x1b: {  	[sflag:s15] =	ssyncset.done $0x0  }
0x1c: {  	[sflag:s15] =	ssyncadd.s32 $0xFFFFC000  }
0x1d: {  	[tilespmem:s18], [sflag:$0x2] =	stream.indirect.gather [hbm4b:s10+s16], $0x1, s16, s16, $0xb8;
	[tilespmem:$0x10000] =	vst v63  }
0x1e: {  	_ =	swait.ge [sflag:s19], $0x4000  }
0x1f: {  	[sflag:s19] =	ssyncset.done $0x0  }
0x20: {  	[sflag:s19] =	ssyncadd.s32 $0xFFFFC000  }
0x21: {  	[hbm4b:s12+s3] =	stream.linear.scatter [tilespmem:s17], [sflag:$0x3], $0x4000, $0x38;
	[tilespmem:$0x10000] =	vst v63  }
0x22: {  	_ =	swait.ge [sflag:s15], $0x4000  }
0x23: {  	s22 =	sadd.s32 $0x0, s1;
	[sflag:s15] =	ssyncset.done $0x0  }
0x24: {  	s23 =	sadd.s32 $0x1000, s22;
	[sflag:s15] =	ssyncadd.s32 $0xFFFFC000  }
0x25: {  	[tilespmem:s3], [sflag:$0x3] =	stream.linear.gather [hbm4b:s23+s3], $0x4000, $0x38;
	[tilespmem:$0x10000] =	vst v63  }
0x26: {  	_ =	swait.ge [sflag:s15], $0x4000  }
0x27: {  	s31 =	sshrl.u32 s13, $0x3;
	[sflag:s15] =	ssyncset.done $0x0  }
0x28: {  	s23 =	sadd.s32 s4, s31;
	[sflag:s15] =	ssyncadd.s32 $0xFFFFC000  }
0x29: {  	[tilespmem:s17], [sflag:$0x1] =	stream.indirect.gather [hbm4b:s23+s16], $0x1, s3, s16, $0xb8;
	[tilespmem:$0x10000] =	vst v63  }
0x2a: {  	_ =	swait.ge [sflag:s20], $0x4000  }
0x2b: {  	[sflag:s20] =	ssyncset.done $0x0  }
0x2c: {  	[sflag:s20] =	ssyncadd.s32 $0xFFFFC000  }
0x2d: {  	[hbm4b:s11+s3] =	stream.linear.scatter [tilespmem:s18], [sflag:$0x3], $0x4000, $0x38;
	[tilespmem:$0x10000] =	vst v63  }
0x2e: {  	_ =	swait.ge [sflag:s15], $0x4000  }
0x2f: {  	[sflag:s15] =	ssyncset.done $0x0  }
0x30: {  	s22 =	sadd.s32 $0x1800, s22;
	[sflag:s15] =	ssyncadd.s32 $0xFFFFC000  }
0x31: {  	[tilespmem:s16], [sflag:$0x3] =	stream.linear.gather [hbm4b:s22+s3], $0x4000, $0x38;
	[tilespmem:$0x10000] =	vst v63  }
0x32: {  	s24 =	sadd.s32 $0xC3500, s14;
	s25 =	sadd.s32 $0x20000, s11;
	_ =	swait.ge [sflag:s15], $0x4000  }
0x33: {  	s26 =	sadd.s32 $0x20000, s12;
	s28 =	smov.u32 s14;
	[sflag:s15] =	ssyncset.done $0x0  }
0x34: {  	s23 =	sadd.s32 $0x61A800, s13;
	s22 =	simm.s32 $0x1000;
	[sflag:s15] =	ssyncadd.s32 $0xFFFFC000  }
.LBB2_2:
0x35: {  	[tilespmem:s18], [sflag:$0x2] =	stream.indirect.gather [hbm4b:s28+s16], $0x1, s16, s16, $0xb8;
	[tilespmem:$0x10000] =	vst v63  }
0x36: {  	s29 =	smov.u32 s22;
	s28 =	smov.u32 s24  }
0x37: {  	p0 =	sne.s32 s22, $0xB000;
	s22 =	sadd.s32 $0x1000, s22;
	_ =	swait.ge [sflag:s19], $0x4000  }
0x38: {  	[sflag:s19] =	ssyncset.done $0x0  }
0x39: {  	[sflag:s19] =	ssyncadd.s32 $0xFFFFC000  }
0x3a: {  	[hbm4b:s26+s3] =	stream.linear.scatter [tilespmem:s17], [sflag:$0x3], $0x4000, $0x38;
	[tilespmem:$0x10000] =	vst v63  }
0x3b: {  	_ =	swait.ge [sflag:s15], $0x4000  }
0x3c: {  	s29 =	sadd.s32 s29, s1;
	[sflag:s15] =	ssyncset.done $0x0  }
0x3d: {  	s30 =	sadd.s32 $0x1000, s29;
	[sflag:s15] =	ssyncadd.s32 $0xFFFFC000  }
0x3e: {  	[tilespmem:s3], [sflag:$0x3] =	stream.linear.gather [hbm4b:s30+s3], $0x4000, $0x38;
	[tilespmem:$0x10000] =	vst v63  }
0x3f: {  	_ =	swait.ge [sflag:s15], $0x4000  }
0x40: {  	s30 =	sshrl.u32 s23, $0x3;
	[sflag:s15] =	ssyncset.done $0x0  }
0x41: {  	s30 =	sadd.s32 s4, s30;
	[sflag:s15] =	ssyncadd.s32 $0xFFFFC000  }
0x42: {  	[tilespmem:s17], [sflag:$0x1] =	stream.indirect.gather [hbm4b:s30+s16], $0x1, s3, s16, $0xb8;
	[tilespmem:$0x10000] =	vst v63  }
0x43: {  	_ =	swait.ge [sflag:s20], $0x4000  }
0x44: {  	[sflag:s20] =	ssyncset.done $0x0  }
0x45: {  	[sflag:s20] =	ssyncadd.s32 $0xFFFFC000  }
0x46: {  	[hbm4b:s25+s3] =	stream.linear.scatter [tilespmem:s18], [sflag:$0x3], $0x4000, $0x38;
	[tilespmem:$0x10000] =	vst v63  }
0x47: {  	_ =	swait.ge [sflag:s15], $0x4000  }
0x48: {  	[sflag:s15] =	ssyncset.done $0x0  }
.Ltmp0:
0x49: {  	s29 =	sadd.s32 $0x1800, s29;
	[sflag:s15] =	ssyncadd.s32 $0xFFFFC000;
	(pc) =	sbr.rel @p0 .LBB2_2-.Ltmp0, $4  }
0x4a: {  	[tilespmem:s16], [sflag:$0x3] =	stream.linear.gather [hbm4b:s29+s3], $0x4000, $0x38;
	[tilespmem:$0x10000] =	vst v63  }
0x4b: {  	_ =	swait.ge [sflag:s15], $0x4000  }
0x4c: {  	s24 =	sadd.s32 $0xC3500, s24;
	s23 =	sadd.s32 $0x61A800, s23;
	[sflag:s15] =	ssyncset.done $0x0  }
0x4d: {  	s26 =	sadd.s32 $0x20000, s26;
	s25 =	sadd.s32 $0x20000, s25;
	[sflag:s15] =	ssyncadd.s32 $0xFFFFC000  }
0x4e: {  	[tilespmem:s18], [sflag:$0x2] =	stream.indirect.gather [hbm4b:s28+s16], $0x1, s16, s16, $0xb8;
	[tilespmem:$0x10000] =	vst v63  }
0x4f: {  	_ =	swait.ge [sflag:s19], $0x4000  }
0x50: {  	[sflag:s19] =	ssyncset.done $0x0  }
0x51: {  	[sflag:s19] =	ssyncadd.s32 $0xFFFFC000  }
0x52: {  	[hbm4b:s5+s3] =	stream.linear.scatter [tilespmem:s17], [sflag:$0x3], $0x4000, $0x38;
	[tilespmem:$0x10000] =	vst v63  }
0x53: {  	_ =	swait.ge [sflag:s15], $0x4000  }
0x54: {  	[sflag:s15] =	ssyncset.done $0x0  }
0x55: {  	[sflag:s15] =	ssyncadd.s32 $0xFFFFC000  }
0x56: {  	s21 =	sadd.s32 $0x1, s21;
	_ =	swait.ge [sflag:s20], $0x4000  }
0x57: {  	p0 =	sne.s32 s21, s7;
	[sflag:s20] =	ssyncset.done $0x0  }
.Ltmp1:
0x58: {  	[sflag:s20] =	ssyncadd.s32 $0xFFFFC000;
	(pc) =	sbr.rel @p0 .LBB2_1-.Ltmp1, $4  }
0x59: {  	[hbm4b:s6+s3] =	stream.linear.scatter [tilespmem:s18], [sflag:$0x3], $0x4000, $0x38;
	[tilespmem:$0x10000] =	vst v63  }
0x5a: {  	_ =	swait.ge [sflag:s15], $0x4000  }
0x5b: {  	[sflag:s15] =	ssyncset.done $0x0  }
0x5c: {  	[sflag:s15] =	ssyncadd.s32 $0xFFFFC000  }
0x5d: {  	_ =	sfence.sel $0x180000  }
0x5e: {  	[bflag:$0x0] =	sbarrier.arrive $0xFFFF  }
0x5f: {  	p0 =	sne.s32 s2, $0x0;
	_ =	strace $0x90000047  }
0x60: {  	s0 =	sadd.s32 @!p0 $0x100000, s0;
	[bflag:$0x2] =	sbarrier.arrive $0xFFFF  }
0x61: {  	[sflag:s0] =	ssyncadd.tile.s32 @!p0 $0x1;
	_ =	shalt  }
.Lfunc_end2:
_tile_overlayer_lowered:
.L_overlay_start_2:
0x62: {  	(tag) =	ssettag $0x2  }
0x63: {  	s0 =	rddreg [dreg:$0x0];
	s2 =	stileid.u32  }
0x64: {  	s1 =	rddreg [dreg:$0x1];
	p0 =	sne.s32 s2, $0x0  }
0x65: {  	s3 =	rddreg [dreg:$0x2];
	[bflag:$0x3] =	sbarrier.arrive $0xFFFF;
	s2 =	simm.s32 @!p0 $0x1C03  }
0x66: {  	[timem:s3], [sflag:s2] =	dma.local @!p0 [hbm:s0], s1  }
0x67: {  	s0 =	simm.s32 @!p0 $0x3  }
0x68: {  	_ =	swait.ge @!p0 [sflag:s0], s1  }
0x69: {  	s1 =	ssub.s32 @!p0 $0x0, s1;
	[sflag:s0] =	ssyncset.done @!p0 $0x0  }
0x6a: {  	[sflag:s0] =	ssyncadd.s32 @!p0 s1  }
0x6b: {  	[bflag:$0x3] =	sbarrier.arrive $0xFFFF  }
0x6c: {  	_ =	shalt  }

</sc_bundles>
